<compile_context>
chip_gen: v7x
topology: tpu7x:2x2x1
jax: 0.10.2.dev20260603
libtpu: 0.0.44.dev20260713+nightly
codegen_flags: <defaults>
</compile_context>

<pallas_src>
import functools

import jax
import jax.numpy as jnp
from jax import lax
from jax.experimental import pallas as pl
from jax.experimental.pallas import tpu as pltpu
from jax.experimental.pallas import tpu_sc as plsc

VOCAB = 100000
DIM = 128
SEQ = 200
BATCH = 1024

NUM_WORKERS = 32
ROWS = SEQ * BATCH
ROWS_PER_WORKER = ROWS // NUM_WORKERS
CHUNK = 128
CHUNKS_PER_WORKER = ROWS_PER_WORKER // CHUNK


NBUF = 4


def _make_sc_gather():
    mesh = plsc.VectorSubcoreMesh(core_axis_name="c", subcore_axis_name="s")
    nsteps = CHUNKS_PER_WORKER // NBUF

    @functools.partial(
        pl.kernel,
        mesh=mesh,
        out_type=jax.ShapeDtypeStruct((ROWS, DIM), jnp.float32),
        scratch_types=(
            [pltpu.VMEM((CHUNK,), jnp.int32) for _ in range(NBUF)]
            + [pltpu.VMEM((CHUNK, DIM), jnp.float32) for _ in range(NBUF)]
            + [pltpu.SemaphoreType.DMA for _ in range(3 * NBUF)]
        ),
    )
    def gather_kernel(idx_hbm, table_hbm, out_hbm, *scratch):
        idx_v = scratch[:NBUF]
        rows_v = scratch[NBUF:2 * NBUF]
        isem = scratch[2 * NBUF:3 * NBUF]
        gsem = scratch[3 * NBUF:4 * NBUF]
        wsem = scratch[4 * NBUF:5 * NBUF]
        wid = lax.axis_index("s") * 2 + lax.axis_index("c")
        base = wid * ROWS_PER_WORKER

        for j in range(NBUF):
            pltpu.async_copy(
                idx_hbm.at[pl.ds(base + j * CHUNK, CHUNK)], idx_v[j], isem[j]
            )

        def step(g, carry):
            for j in range(NBUF):
                c = NBUF * g + j
                off = base + c * CHUNK
                @pl.when(g > 0)
                def _():
                    pltpu.make_async_copy(
                        rows_v[j], out_hbm.at[pl.ds(off, CHUNK)], wsem[j]
                    ).wait()
                pltpu.make_async_copy(
                    idx_hbm.at[pl.ds(off, CHUNK)], idx_v[j], isem[j]
                ).wait()
                pltpu.async_copy(table_hbm.at[idx_v[j]], rows_v[j], gsem[j])
            for j in range(NBUF):
                c = NBUF * g + j
                off = base + c * CHUNK
                pltpu.make_async_copy(
                    table_hbm.at[idx_v[j]], rows_v[j], gsem[j]
                ).wait()
                pltpu.async_copy(rows_v[j], out_hbm.at[pl.ds(off, CHUNK)], wsem[j])
                @pl.when(c + NBUF < CHUNKS_PER_WORKER)
                def _():
                    pltpu.async_copy(
                        idx_hbm.at[pl.ds(off + NBUF * CHUNK, CHUNK)],
                        idx_v[j], isem[j],
                    )
            return carry

        lax.fori_loop(0, nsteps, step, 0)

        ntail = CHUNKS_PER_WORKER - NBUF * nsteps
        for j in range(ntail):
            off = base + (NBUF * nsteps + j) * CHUNK
            pltpu.make_async_copy(
                rows_v[j], out_hbm.at[pl.ds(off, CHUNK)], wsem[j]
            ).wait()
            pltpu.make_async_copy(
                idx_hbm.at[pl.ds(off, CHUNK)], idx_v[j], isem[j]
            ).wait()
            pltpu.async_copy(table_hbm.at[idx_v[j]], rows_v[j], gsem[j])
        for j in range(ntail):
            off = base + (NBUF * nsteps + j) * CHUNK
            pltpu.make_async_copy(
                table_hbm.at[idx_v[j]], rows_v[j], gsem[j]
            ).wait()
            pltpu.async_copy(rows_v[j], out_hbm.at[pl.ds(off, CHUNK)], wsem[j])

        for j in range(NBUF):
            pltpu.make_async_copy(
                rows_v[j], out_hbm.at[pl.ds(base, CHUNK)], wsem[j]
            ).wait()

    return gather_kernel


_sc_gather = _make_sc_gather()


@jax.jit
def kernel(sentence, emb_weight):
    idx = jnp.transpose(sentence).reshape(ROWS)
    out = _sc_gather(idx, emb_weight)
    return out.reshape(BATCH, SEQ, DIM)

# --- scband reference (transcript-rebuilt; emitter-appended) ---
"""Pipeline reference for scband-embeding-layer-4063039062876 (READ-ONLY COPY).

The authoritative reference and input builder live on the scoring server;
editing this copy changes nothing except your own understanding.
"""

import jax, jax.numpy as jnp
import numpy as np

VOCAB = 100000
DIM = 128
SEQ = 200
BATCH = 1024

def setup_inputs(seed: int = 0) -> dict:
    key = jax.random.key(seed)
    k1, k2 = jax.random.split(key)
    sentence = jax.random.randint(k1, (SEQ, BATCH), 0, VOCAB, dtype=jnp.int64 if jax.config.jax_enable_x64 else jnp.int32).astype(jnp.int32)
    emb_weight = jax.random.normal(k2, (VOCAB, DIM), dtype=jnp.float32)
    return {"sentence": sentence, "emb_weight": emb_weight}

def reference(sentence, emb_weight):
    # embedded = emb(sentence) -> [seq_len, batch, dim]; permute(1,0,2) -> [batch, seq_len, dim]
    embedded = jnp.take(emb_weight, sentence, axis=0)
    return jnp.transpose(embedded, (1, 0, 2))

if __name__ == "__main__":
    import jax
    _d = setup_inputs()
    print(jax.jit(kernel)(*tuple(_d.values())))

</pallas_src>

<mosaic_0001>
#map = affine_map<(d0, d1) -> (0)>
#map1 = affine_map<(d0, d1) -> (0, 0)>
module attributes {stable_mosaic.version = 14 : i64} {
  func.func @gather_kernel(%arg0: i32, %arg1: i32, %arg2: memref<204800xi32, #tpu.memory_space<hbm>>, %arg3: memref<100000x128xf32, #tpu.memory_space<hbm>>, %arg4: memref<204800x128xf32, #tpu.memory_space<hbm>>, %arg5: memref<128xi32, #tpu.memory_space<vmem>>, %arg6: memref<128xi32, #tpu.memory_space<vmem>>, %arg7: memref<128xi32, #tpu.memory_space<vmem>>, %arg8: memref<128xi32, #tpu.memory_space<vmem>>, %arg9: memref<128x128xf32, #tpu.memory_space<vmem>>, %arg10: memref<128x128xf32, #tpu.memory_space<vmem>>, %arg11: memref<128x128xf32, #tpu.memory_space<vmem>>, %arg12: memref<128x128xf32, #tpu.memory_space<vmem>>, %arg13: memref<!tpu.dma_semaphore, #tpu.memory_space<semaphore_mem>>, %arg14: memref<!tpu.dma_semaphore, #tpu.memory_space<semaphore_mem>>, %arg15: memref<!tpu.dma_semaphore, #tpu.memory_space<semaphore_mem>>, %arg16: memref<!tpu.dma_semaphore, #tpu.memory_space<semaphore_mem>>, %arg17: memref<!tpu.dma_semaphore, #tpu.memory_space<semaphore_mem>>, %arg18: memref<!tpu.dma_semaphore, #tpu.memory_space<semaphore_mem>>, %arg19: memref<!tpu.dma_semaphore, #tpu.memory_space<semaphore_mem>>, %arg20: memref<!tpu.dma_semaphore, #tpu.memory_space<semaphore_mem>>, %arg21: memref<!tpu.dma_semaphore, #tpu.memory_space<semaphore_mem>>, %arg22: memref<!tpu.dma_semaphore, #tpu.memory_space<semaphore_mem>>, %arg23: memref<!tpu.dma_semaphore, #tpu.memory_space<semaphore_mem>>, %arg24: memref<!tpu.dma_semaphore, #tpu.memory_space<semaphore_mem>>) attributes {dimension_semantics = [#tpu.dimension_semantics<core_parallel>, #tpu.dimension_semantics<subcore_parallel>], iteration_bounds = array<i64: 2, 16>, scalar_prefetch = 0 : i64, scratch_operands = 20 : i64, tpu.core_type = #tpu.core_type<sc_vector_subcore>, window_params = [{transform_indices = #map}, {transform_indices = #map1}, {transform_indices = #map1}]} {
    %mul3A = arith.constant 2 : i32
    %mul3A_0 = arith.muli %arg1, %mul3A : i32
    %add3A = arith.addi %mul3A_0, %arg0 : i32
    %mul3A_1 = arith.constant 6400 : i32
    %mul3A_2 = arith.muli %add3A, %mul3A_1 : i32
    %add3A_3 = arith.constant 0 : i32
    %add3A_4 = arith.addi %mul3A_2, %add3A_3 : i32
    %dma_start3A = tpu.memref_slice %arg2[%add3A_4] : memref<204800xi32, #tpu.memory_space<hbm>> -> memref<128xi32, #tpu.memory_space<hbm>>
    %dma_start3A_5 = tpu.memref_slice %arg2[%add3A_4] : memref<204800xi32, #tpu.memory_space<hbm>> -> memref<128xi32, #tpu.memory_space<hbm>>
    tpu.enqueue_dma source(%dma_start3A_5 : memref<128xi32, #tpu.memory_space<hbm>>) target(%arg5 : memref<128xi32, #tpu.memory_space<vmem>>) target_semaphore(%arg13 : memref<!tpu.dma_semaphore, #tpu.memory_space<semaphore_mem>>)
    %add3A_6 = arith.constant 128 : i32
    %add3A_7 = arith.addi %mul3A_2, %add3A_6 : i32
    %dma_start3A_8 = tpu.memref_slice %arg2[%add3A_7] : memref<204800xi32, #tpu.memory_space<hbm>> -> memref<128xi32, #tpu.memory_space<hbm>>
    %dma_start3A_9 = tpu.memref_slice %arg2[%add3A_7] : memref<204800xi32, #tpu.memory_space<hbm>> -> memref<128xi32, #tpu.memory_space<hbm>>
    tpu.enqueue_dma source(%dma_start3A_9 : memref<128xi32, #tpu.memory_space<hbm>>) target(%arg6 : memref<128xi32, #tpu.memory_space<vmem>>) target_semaphore(%arg14 : memref<!tpu.dma_semaphore, #tpu.memory_space<semaphore_mem>>)
    %add3A_10 = arith.constant 256 : i32
    %add3A_11 = arith.addi %mul3A_2, %add3A_10 : i32
    %dma_start3A_12 = tpu.memref_slice %arg2[%add3A_11] : memref<204800xi32, #tpu.memory_space<hbm>> -> memref<128xi32, #tpu.memory_space<hbm>>
    %dma_start3A_13 = tpu.memref_slice %arg2[%add3A_11] : memref<204800xi32, #tpu.memory_space<hbm>> -> memref<128xi32, #tpu.memory_space<hbm>>
    tpu.enqueue_dma source(%dma_start3A_13 : memref<128xi32, #tpu.memory_space<hbm>>) target(%arg7 : memref<128xi32, #tpu.memory_space<vmem>>) target_semaphore(%arg15 : memref<!tpu.dma_semaphore, #tpu.memory_space<semaphore_mem>>)
    %add3A_14 = arith.constant 384 : i32
    %add3A_15 = arith.addi %mul3A_2, %add3A_14 : i32
    %dma_start3A_16 = tpu.memref_slice %arg2[%add3A_15] : memref<204800xi32, #tpu.memory_space<hbm>> -> memref<128xi32, #tpu.memory_space<hbm>>
    %dma_start3A_17 = tpu.memref_slice %arg2[%add3A_15] : memref<204800xi32, #tpu.memory_space<hbm>> -> memref<128xi32, #tpu.memory_space<hbm>>
    tpu.enqueue_dma source(%dma_start3A_17 : memref<128xi32, #tpu.memory_space<hbm>>) target(%arg8 : memref<128xi32, #tpu.memory_space<vmem>>) target_semaphore(%arg16 : memref<!tpu.dma_semaphore, #tpu.memory_space<semaphore_mem>>)
    %scan3A = arith.constant 0 : i32
    %scan3A_18 = arith.constant 0 : i32
    %scan3A_19 = arith.constant 12 : i32
    %scan3A_20 = arith.addi %scan3A_18, %scan3A_19 : i32
    %scan3A_21 = arith.constant 1 : i32
    scf.for %scan3A_78 = %scan3A_18 to %scan3A_20 step %scan3A_21  : i32 {
      %mul3A_79 = arith.constant 4 : i32
      %mul3A_80 = arith.muli %mul3A_79, %scan3A_78 : i32
      %add3A_81 = arith.constant 0 : i32
      %add3A_82 = arith.addi %mul3A_80, %add3A_81 : i32
      %mul3A_83 = arith.constant 128 : i32
      %mul3A_84 = arith.muli %add3A_82, %mul3A_83 : i32
      %add3A_85 = arith.addi %mul3A_2, %mul3A_84 : i32
      %gt3A = arith.constant 0 : i32
      %gt3A_86 = arith.cmpi sgt, %scan3A_78, %gt3A : i32
      %convert_element_type3A = arith.extui %gt3A_86 : i1 to i32
      %cond3A = arith.constant 0 : i32
      %cond3A_87 = arith.cmpi ne, %convert_element_type3A, %cond3A : i32
      scf.if %cond3A_87 {
        %dma_wait3A_227 = arith.constant 0 : i32
        %dma_wait3A_228 = tpu.memref_slice %arg4[%add3A_85, %dma_wait3A_227] : memref<204800x128xf32, #tpu.memory_space<hbm>> -> memref<128x128xf32, #tpu.memory_space<hbm>>
        %dma_wait3A_229 = arith.constant 0 : i32
        %dma_wait3A_230 = tpu.memref_slice %arg4[%add3A_85, %dma_wait3A_229] : memref<204800x128xf32, #tpu.memory_space<hbm>> -> memref<128x128xf32, #tpu.memory_space<hbm>>
        tpu.wait_dma2 semaphore(%arg21 : memref<!tpu.dma_semaphore, #tpu.memory_space<semaphore_mem>>) src(%arg9 : memref<128x128xf32, #tpu.memory_space<vmem>>) dst(%dma_wait3A_230 : memref<128x128xf32, #tpu.memory_space<hbm>>)
      } else {
      }
      %dma_wait3A_88 = tpu.memref_slice %arg2[%add3A_85] : memref<204800xi32, #tpu.memory_space<hbm>> -> memref<128xi32, #tpu.memory_space<hbm>>
      %dma_wait3A_89 = tpu.memref_slice %arg2[%add3A_85] : memref<204800xi32, #tpu.memory_space<hbm>> -> memref<128xi32, #tpu.memory_space<hbm>>
      tpu.wait_dma2 semaphore(%arg13 : memref<!tpu.dma_semaphore, #tpu.memory_space<semaphore_mem>>) src(%dma_wait3A_89 : memref<128xi32, #tpu.memory_space<hbm>>) dst(%arg5 : memref<128xi32, #tpu.memory_space<vmem>>)
      %dma_start3A_90 = arith.constant 0 : i32
      %dma_start3A_91 = arith.constant 0 : i32
      %dma_start3A_92 = tpu.memref_slice %arg3[%dma_start3A_90, %dma_start3A_91] : memref<100000x128xf32, #tpu.memory_space<hbm>> -> memref<100000x128xf32, #tpu.memory_space<hbm>>
      tpu.enqueue_indirect_dma source(%dma_start3A_92 : memref<100000x128xf32, #tpu.memory_space<hbm>>) target(%arg9 : memref<128x128xf32, #tpu.memory_space<vmem>>) offsets(%arg5 : memref<128xi32, #tpu.memory_space<vmem>>) semaphore(%arg17 : memref<!tpu.dma_semaphore, #tpu.memory_space<semaphore_mem>>)
      %mul3A_93 = arith.constant 4 : i32
      %mul3A_94 = arith.muli %mul3A_93, %scan3A_78 : i32
      %add3A_95 = arith.constant 1 : i32
      %add3A_96 = arith.addi %mul3A_94, %add3A_95 : i32
      %mul3A_97 = arith.constant 128 : i32
      %mul3A_98 = arith.muli %add3A_96, %mul3A_97 : i32
      %add3A_99 = arith.addi %mul3A_2, %mul3A_98 : i32
      %gt3A_100 = arith.constant 0 : i32
      %gt3A_101 = arith.cmpi sgt, %scan3A_78, %gt3A_100 : i32
      %convert_element_type3A_102 = arith.extui %gt3A_101 : i1 to i32
      %cond3A_103 = arith.constant 0 : i32
      %cond3A_104 = arith.cmpi ne, %convert_element_type3A_102, %cond3A_103 : i32
      scf.if %cond3A_104 {
        %dma_wait3A_227 = arith.constant 0 : i32
        %dma_wait3A_228 = tpu.memref_slice %arg4[%add3A_99, %dma_wait3A_227] : memref<204800x128xf32, #tpu.memory_space<hbm>> -> memref<128x128xf32, #tpu.memory_space<hbm>>
        %dma_wait3A_229 = arith.constant 0 : i32
        %dma_wait3A_230 = tpu.memref_slice %arg4[%add3A_99, %dma_wait3A_229] : memref<204800x128xf32, #tpu.memory_space<hbm>> -> memref<128x128xf32, #tpu.memory_space<hbm>>
        tpu.wait_dma2 semaphore(%arg22 : memref<!tpu.dma_semaphore, #tpu.memory_space<semaphore_mem>>) src(%arg10 : memref<128x128xf32, #tpu.memory_space<vmem>>) dst(%dma_wait3A_230 : memref<128x128xf32, #tpu.memory_space<hbm>>)
      } else {
      }
      %dma_wait3A_105 = tpu.memref_slice %arg2[%add3A_99] : memref<204800xi32, #tpu.memory_space<hbm>> -> memref<128xi32, #tpu.memory_space<hbm>>
      %dma_wait3A_106 = tpu.memref_slice %arg2[%add3A_99] : memref<204800xi32, #tpu.memory_space<hbm>> -> memref<128xi32, #tpu.memory_space<hbm>>
      tpu.wait_dma2 semaphore(%arg14 : memref<!tpu.dma_semaphore, #tpu.memory_space<semaphore_mem>>) src(%dma_wait3A_106 : memref<128xi32, #tpu.memory_space<hbm>>) dst(%arg6 : memref<128xi32, #tpu.memory_space<vmem>>)
      %dma_start3A_107 = arith.constant 0 : i32
      %dma_start3A_108 = arith.constant 0 : i32
      %dma_start3A_109 = tpu.memref_slice %arg3[%dma_start3A_107, %dma_start3A_108] : memref<100000x128xf32, #tpu.memory_space<hbm>> -> memref<100000x128xf32, #tpu.memory_space<hbm>>
      tpu.enqueue_indirect_dma source(%dma_start3A_109 : memref<100000x128xf32, #tpu.memory_space<hbm>>) target(%arg10 : memref<128x128xf32, #tpu.memory_space<vmem>>) offsets(%arg6 : memref<128xi32, #tpu.memory_space<vmem>>) semaphore(%arg18 : memref<!tpu.dma_semaphore, #tpu.memory_space<semaphore_mem>>)
      %mul3A_110 = arith.constant 4 : i32
      %mul3A_111 = arith.muli %mul3A_110, %scan3A_78 : i32
      %add3A_112 = arith.constant 2 : i32
      %add3A_113 = arith.addi %mul3A_111, %add3A_112 : i32
      %mul3A_114 = arith.constant 128 : i32
      %mul3A_115 = arith.muli %add3A_113, %mul3A_114 : i32
      %add3A_116 = arith.addi %mul3A_2, %mul3A_115 : i32
      %gt3A_117 = arith.constant 0 : i32
      %gt3A_118 = arith.cmpi sgt, %scan3A_78, %gt3A_117 : i32
      %convert_element_type3A_119 = arith.extui %gt3A_118 : i1 to i32
      %cond3A_120 = arith.constant 0 : i32
      %cond3A_121 = arith.cmpi ne, %convert_element_type3A_119, %cond3A_120 : i32
      scf.if %cond3A_121 {
        %dma_wait3A_227 = arith.constant 0 : i32
        %dma_wait3A_228 = tpu.memref_slice %arg4[%add3A_116, %dma_wait3A_227] : memref<204800x128xf32, #tpu.memory_space<hbm>> -> memref<128x128xf32, #tpu.memory_space<hbm>>
        %dma_wait3A_229 = arith.constant 0 : i32
        %dma_wait3A_230 = tpu.memref_slice %arg4[%add3A_116, %dma_wait3A_229] : memref<204800x128xf32, #tpu.memory_space<hbm>> -> memref<128x128xf32, #tpu.memory_space<hbm>>
        tpu.wait_dma2 semaphore(%arg23 : memref<!tpu.dma_semaphore, #tpu.memory_space<semaphore_mem>>) src(%arg11 : memref<128x128xf32, #tpu.memory_space<vmem>>) dst(%dma_wait3A_230 : memref<128x128xf32, #tpu.memory_space<hbm>>)
      } else {
      }
      %dma_wait3A_122 = tpu.memref_slice %arg2[%add3A_116] : memref<204800xi32, #tpu.memory_space<hbm>> -> memref<128xi32, #tpu.memory_space<hbm>>
      %dma_wait3A_123 = tpu.memref_slice %arg2[%add3A_116] : memref<204800xi32, #tpu.memory_space<hbm>> -> memref<128xi32, #tpu.memory_space<hbm>>
      tpu.wait_dma2 semaphore(%arg15 : memref<!tpu.dma_semaphore, #tpu.memory_space<semaphore_mem>>) src(%dma_wait3A_123 : memref<128xi32, #tpu.memory_space<hbm>>) dst(%arg7 : memref<128xi32, #tpu.memory_space<vmem>>)
      %dma_start3A_124 = arith.constant 0 : i32
      %dma_start3A_125 = arith.constant 0 : i32
      %dma_start3A_126 = tpu.memref_slice %arg3[%dma_start3A_124, %dma_start3A_125] : memref<100000x128xf32, #tpu.memory_space<hbm>> -> memref<100000x128xf32, #tpu.memory_space<hbm>>
      tpu.enqueue_indirect_dma source(%dma_start3A_126 : memref<100000x128xf32, #tpu.memory_space<hbm>>) target(%arg11 : memref<128x128xf32, #tpu.memory_space<vmem>>) offsets(%arg7 : memref<128xi32, #tpu.memory_space<vmem>>) semaphore(%arg19 : memref<!tpu.dma_semaphore, #tpu.memory_space<semaphore_mem>>)
      %mul3A_127 = arith.constant 4 : i32
      %mul3A_128 = arith.muli %mul3A_127, %scan3A_78 : i32
      %add3A_129 = arith.constant 3 : i32
      %add3A_130 = arith.addi %mul3A_128, %add3A_129 : i32
      %mul3A_131 = arith.constant 128 : i32
      %mul3A_132 = arith.muli %add3A_130, %mul3A_131 : i32
      %add3A_133 = arith.addi %mul3A_2, %mul3A_132 : i32
      %gt3A_134 = arith.constant 0 : i32
      %gt3A_135 = arith.cmpi sgt, %scan3A_78, %gt3A_134 : i32
      %convert_element_type3A_136 = arith.extui %gt3A_135 : i1 to i32
      %cond3A_137 = arith.constant 0 : i32
      %cond3A_138 = arith.cmpi ne, %convert_element_type3A_136, %cond3A_137 : i32
      scf.if %cond3A_138 {
        %dma_wait3A_227 = arith.constant 0 : i32
        %dma_wait3A_228 = tpu.memref_slice %arg4[%add3A_133, %dma_wait3A_227] : memref<204800x128xf32, #tpu.memory_space<hbm>> -> memref<128x128xf32, #tpu.memory_space<hbm>>
        %dma_wait3A_229 = arith.constant 0 : i32
        %dma_wait3A_230 = tpu.memref_slice %arg4[%add3A_133, %dma_wait3A_229] : memref<204800x128xf32, #tpu.memory_space<hbm>> -> memref<128x128xf32, #tpu.memory_space<hbm>>
        tpu.wait_dma2 semaphore(%arg24 : memref<!tpu.dma_semaphore, #tpu.memory_space<semaphore_mem>>) src(%arg12 : memref<128x128xf32, #tpu.memory_space<vmem>>) dst(%dma_wait3A_230 : memref<128x128xf32, #tpu.memory_space<hbm>>)
      } else {
      }
      %dma_wait3A_139 = tpu.memref_slice %arg2[%add3A_133] : memref<204800xi32, #tpu.memory_space<hbm>> -> memref<128xi32, #tpu.memory_space<hbm>>
      %dma_wait3A_140 = tpu.memref_slice %arg2[%add3A_133] : memref<204800xi32, #tpu.memory_space<hbm>> -> memref<128xi32, #tpu.memory_space<hbm>>
      tpu.wait_dma2 semaphore(%arg16 : memref<!tpu.dma_semaphore, #tpu.memory_space<semaphore_mem>>) src(%dma_wait3A_140 : memref<128xi32, #tpu.memory_space<hbm>>) dst(%arg8 : memref<128xi32, #tpu.memory_space<vmem>>)
      %dma_start3A_141 = arith.constant 0 : i32
      %dma_start3A_142 = arith.constant 0 : i32
      %dma_start3A_143 = tpu.memref_slice %arg3[%dma_start3A_141, %dma_start3A_142] : memref<100000x128xf32, #tpu.memory_space<hbm>> -> memref<100000x128xf32, #tpu.memory_space<hbm>>
      tpu.enqueue_indirect_dma source(%dma_start3A_143 : memref<100000x128xf32, #tpu.memory_space<hbm>>) target(%arg12 : memref<128x128xf32, #tpu.memory_space<vmem>>) offsets(%arg8 : memref<128xi32, #tpu.memory_space<vmem>>) semaphore(%arg20 : memref<!tpu.dma_semaphore, #tpu.memory_space<semaphore_mem>>)
      %mul3A_144 = arith.constant 4 : i32
      %mul3A_145 = arith.muli %mul3A_144, %scan3A_78 : i32
      %add3A_146 = arith.constant 0 : i32
      %add3A_147 = arith.addi %mul3A_145, %add3A_146 : i32
      %mul3A_148 = arith.constant 128 : i32
      %mul3A_149 = arith.muli %add3A_147, %mul3A_148 : i32
      %add3A_150 = arith.addi %mul3A_2, %mul3A_149 : i32
      %dma_wait3A_151 = arith.constant 0 : i32
      %dma_wait3A_152 = arith.constant 0 : i32
      %dma_wait3A_153 = tpu.memref_slice %arg3[%dma_wait3A_151, %dma_wait3A_152] : memref<100000x128xf32, #tpu.memory_space<hbm>> -> memref<100000x128xf32, #tpu.memory_space<hbm>>
      tpu.wait_indirect_dma semaphore(%arg17 : memref<!tpu.dma_semaphore, #tpu.memory_space<semaphore_mem>>) src(%dma_wait3A_153 : memref<100000x128xf32, #tpu.memory_space<hbm>>) dst(%arg9 : memref<128x128xf32, #tpu.memory_space<vmem>>)
      %dma_start3A_154 = arith.constant 0 : i32
      %dma_start3A_155 = tpu.memref_slice %arg4[%add3A_150, %dma_start3A_154] : memref<204800x128xf32, #tpu.memory_space<hbm>> -> memref<128x128xf32, #tpu.memory_space<hbm>>
      %dma_start3A_156 = arith.constant 0 : i32
      %dma_start3A_157 = tpu.memref_slice %arg4[%add3A_150, %dma_start3A_156] : memref<204800x128xf32, #tpu.memory_space<hbm>> -> memref<128x128xf32, #tpu.memory_space<hbm>>
      tpu.enqueue_dma source(%arg9 : memref<128x128xf32, #tpu.memory_space<vmem>>) target(%dma_start3A_157 : memref<128x128xf32, #tpu.memory_space<hbm>>) target_semaphore(%arg21 : memref<!tpu.dma_semaphore, #tpu.memory_space<semaphore_mem>>)
      %add3A_158 = arith.constant 4 : i32
      %add3A_159 = arith.addi %add3A_147, %add3A_158 : i32
      %lt3A = arith.constant 50 : i32
      %lt3A_160 = arith.cmpi slt, %add3A_159, %lt3A : i32
      %convert_element_type3A_161 = arith.extui %lt3A_160 : i1 to i32
      %cond3A_162 = arith.constant 0 : i32
      %cond3A_163 = arith.cmpi ne, %convert_element_type3A_161, %cond3A_162 : i32
      scf.if %cond3A_163 {
        %add3A_227 = arith.constant 512 : i32
        %add3A_228 = arith.addi %add3A_150, %add3A_227 : i32
        %dma_start3A_229 = tpu.memref_slice %arg2[%add3A_228] : memref<204800xi32, #tpu.memory_space<hbm>> -> memref<128xi32, #tpu.memory_space<hbm>>
        %dma_start3A_230 = tpu.memref_slice %arg2[%add3A_228] : memref<204800xi32, #tpu.memory_space<hbm>> -> memref<128xi32, #tpu.memory_space<hbm>>
        tpu.enqueue_dma source(%dma_start3A_230 : memref<128xi32, #tpu.memory_space<hbm>>) target(%arg5 : memref<128xi32, #tpu.memory_space<vmem>>) target_semaphore(%arg13 : memref<!tpu.dma_semaphore, #tpu.memory_space<semaphore_mem>>)
      } else {
      }
      %mul3A_164 = arith.constant 4 : i32
      %mul3A_165 = arith.muli %mul3A_164, %scan3A_78 : i32
      %add3A_166 = arith.constant 1 : i32
      %add3A_167 = arith.addi %mul3A_165, %add3A_166 : i32
      %mul3A_168 = arith.constant 128 : i32
      %mul3A_169 = arith.muli %add3A_167, %mul3A_168 : i32
      %add3A_170 = arith.addi %mul3A_2, %mul3A_169 : i32
      %dma_wait3A_171 = arith.constant 0 : i32
      %dma_wait3A_172 = arith.constant 0 : i32
      %dma_wait3A_173 = tpu.memref_slice %arg3[%dma_wait3A_171, %dma_wait3A_172] : memref<100000x128xf32, #tpu.memory_space<hbm>> -> memref<100000x128xf32, #tpu.memory_space<hbm>>
      tpu.wait_indirect_dma semaphore(%arg18 : memref<!tpu.dma_semaphore, #tpu.memory_space<semaphore_mem>>) src(%dma_wait3A_173 : memref<100000x128xf32, #tpu.memory_space<hbm>>) dst(%arg10 : memref<128x128xf32, #tpu.memory_space<vmem>>)
      %dma_start3A_174 = arith.constant 0 : i32
      %dma_start3A_175 = tpu.memref_slice %arg4[%add3A_170, %dma_start3A_174] : memref<204800x128xf32, #tpu.memory_space<hbm>> -> memref<128x128xf32, #tpu.memory_space<hbm>>
      %dma_start3A_176 = arith.constant 0 : i32
      %dma_start3A_177 = tpu.memref_slice %arg4[%add3A_170, %dma_start3A_176] : memref<204800x128xf32, #tpu.memory_space<hbm>> -> memref<128x128xf32, #tpu.memory_space<hbm>>
      tpu.enqueue_dma source(%arg10 : memref<128x128xf32, #tpu.memory_space<vmem>>) target(%dma_start3A_177 : memref<128x128xf32, #tpu.memory_space<hbm>>) target_semaphore(%arg22 : memref<!tpu.dma_semaphore, #tpu.memory_space<semaphore_mem>>)
      %add3A_178 = arith.constant 4 : i32
      %add3A_179 = arith.addi %add3A_167, %add3A_178 : i32
      %lt3A_180 = arith.constant 50 : i32
      %lt3A_181 = arith.cmpi slt, %add3A_179, %lt3A_180 : i32
      %convert_element_type3A_182 = arith.extui %lt3A_181 : i1 to i32
      %cond3A_183 = arith.constant 0 : i32
      %cond3A_184 = arith.cmpi ne, %convert_element_type3A_182, %cond3A_183 : i32
      scf.if %cond3A_184 {
        %add3A_227 = arith.constant 512 : i32
        %add3A_228 = arith.addi %add3A_170, %add3A_227 : i32
        %dma_start3A_229 = tpu.memref_slice %arg2[%add3A_228] : memref<204800xi32, #tpu.memory_space<hbm>> -> memref<128xi32, #tpu.memory_space<hbm>>
        %dma_start3A_230 = tpu.memref_slice %arg2[%add3A_228] : memref<204800xi32, #tpu.memory_space<hbm>> -> memref<128xi32, #tpu.memory_space<hbm>>
        tpu.enqueue_dma source(%dma_start3A_230 : memref<128xi32, #tpu.memory_space<hbm>>) target(%arg6 : memref<128xi32, #tpu.memory_space<vmem>>) target_semaphore(%arg14 : memref<!tpu.dma_semaphore, #tpu.memory_space<semaphore_mem>>)
      } else {
      }
      %mul3A_185 = arith.constant 4 : i32
      %mul3A_186 = arith.muli %mul3A_185, %scan3A_78 : i32
      %add3A_187 = arith.constant 2 : i32
      %add3A_188 = arith.addi %mul3A_186, %add3A_187 : i32
      %mul3A_189 = arith.constant 128 : i32
      %mul3A_190 = arith.muli %add3A_188, %mul3A_189 : i32
      %add3A_191 = arith.addi %mul3A_2, %mul3A_190 : i32
      %dma_wait3A_192 = arith.constant 0 : i32
      %dma_wait3A_193 = arith.constant 0 : i32
      %dma_wait3A_194 = tpu.memref_slice %arg3[%dma_wait3A_192, %dma_wait3A_193] : memref<100000x128xf32, #tpu.memory_space<hbm>> -> memref<100000x128xf32, #tpu.memory_space<hbm>>
      tpu.wait_indirect_dma semaphore(%arg19 : memref<!tpu.dma_semaphore, #tpu.memory_space<semaphore_mem>>) src(%dma_wait3A_194 : memref<100000x128xf32, #tpu.memory_space<hbm>>) dst(%arg11 : memref<128x128xf32, #tpu.memory_space<vmem>>)
      %dma_start3A_195 = arith.constant 0 : i32
      %dma_start3A_196 = tpu.memref_slice %arg4[%add3A_191, %dma_start3A_195] : memref<204800x128xf32, #tpu.memory_space<hbm>> -> memref<128x128xf32, #tpu.memory_space<hbm>>
      %dma_start3A_197 = arith.constant 0 : i32
      %dma_start3A_198 = tpu.memref_slice %arg4[%add3A_191, %dma_start3A_197] : memref<204800x128xf32, #tpu.memory_space<hbm>> -> memref<128x128xf32, #tpu.memory_space<hbm>>
      tpu.enqueue_dma source(%arg11 : memref<128x128xf32, #tpu.memory_space<vmem>>) target(%dma_start3A_198 : memref<128x128xf32, #tpu.memory_space<hbm>>) target_semaphore(%arg23 : memref<!tpu.dma_semaphore, #tpu.memory_space<semaphore_mem>>)
      %add3A_199 = arith.constant 4 : i32
      %add3A_200 = arith.addi %add3A_188, %add3A_199 : i32
      %lt3A_201 = arith.constant 50 : i32
      %lt3A_202 = arith.cmpi slt, %add3A_200, %lt3A_201 : i32
      %convert_element_type3A_203 = arith.extui %lt3A_202 : i1 to i32
      %cond3A_204 = arith.constant 0 : i32
      %cond3A_205 = arith.cmpi ne, %convert_element_type3A_203, %cond3A_204 : i32
      scf.if %cond3A_205 {
        %add3A_227 = arith.constant 512 : i32
        %add3A_228 = arith.addi %add3A_191, %add3A_227 : i32
        %dma_start3A_229 = tpu.memref_slice %arg2[%add3A_228] : memref<204800xi32, #tpu.memory_space<hbm>> -> memref<128xi32, #tpu.memory_space<hbm>>
        %dma_start3A_230 = tpu.memref_slice %arg2[%add3A_228] : memref<204800xi32, #tpu.memory_space<hbm>> -> memref<128xi32, #tpu.memory_space<hbm>>
        tpu.enqueue_dma source(%dma_start3A_230 : memref<128xi32, #tpu.memory_space<hbm>>) target(%arg7 : memref<128xi32, #tpu.memory_space<vmem>>) target_semaphore(%arg15 : memref<!tpu.dma_semaphore, #tpu.memory_space<semaphore_mem>>)
      } else {
      }
      %mul3A_206 = arith.constant 4 : i32
      %mul3A_207 = arith.muli %mul3A_206, %scan3A_78 : i32
      %add3A_208 = arith.constant 3 : i32
      %add3A_209 = arith.addi %mul3A_207, %add3A_208 : i32
      %mul3A_210 = arith.constant 128 : i32
      %mul3A_211 = arith.muli %add3A_209, %mul3A_210 : i32
      %add3A_212 = arith.addi %mul3A_2, %mul3A_211 : i32
      %dma_wait3A_213 = arith.constant 0 : i32
      %dma_wait3A_214 = arith.constant 0 : i32
      %dma_wait3A_215 = tpu.memref_slice %arg3[%dma_wait3A_213, %dma_wait3A_214] : memref<100000x128xf32, #tpu.memory_space<hbm>> -> memref<100000x128xf32, #tpu.memory_space<hbm>>
      tpu.wait_indirect_dma semaphore(%arg20 : memref<!tpu.dma_semaphore, #tpu.memory_space<semaphore_mem>>) src(%dma_wait3A_215 : memref<100000x128xf32, #tpu.memory_space<hbm>>) dst(%arg12 : memref<128x128xf32, #tpu.memory_space<vmem>>)
      %dma_start3A_216 = arith.constant 0 : i32
      %dma_start3A_217 = tpu.memref_slice %arg4[%add3A_212, %dma_start3A_216] : memref<204800x128xf32, #tpu.memory_space<hbm>> -> memref<128x128xf32, #tpu.memory_space<hbm>>
      %dma_start3A_218 = arith.constant 0 : i32
      %dma_start3A_219 = tpu.memref_slice %arg4[%add3A_212, %dma_start3A_218] : memref<204800x128xf32, #tpu.memory_space<hbm>> -> memref<128x128xf32, #tpu.memory_space<hbm>>
      tpu.enqueue_dma source(%arg12 : memref<128x128xf32, #tpu.memory_space<vmem>>) target(%dma_start3A_219 : memref<128x128xf32, #tpu.memory_space<hbm>>) target_semaphore(%arg24 : memref<!tpu.dma_semaphore, #tpu.memory_space<semaphore_mem>>)
      %add3A_220 = arith.constant 4 : i32
      %add3A_221 = arith.addi %add3A_209, %add3A_220 : i32
      %lt3A_222 = arith.constant 50 : i32
      %lt3A_223 = arith.cmpi slt, %add3A_221, %lt3A_222 : i32
      %convert_element_type3A_224 = arith.extui %lt3A_223 : i1 to i32
      %cond3A_225 = arith.constant 0 : i32
      %cond3A_226 = arith.cmpi ne, %convert_element_type3A_224, %cond3A_225 : i32
      scf.if %cond3A_226 {
        %add3A_227 = arith.constant 512 : i32
        %add3A_228 = arith.addi %add3A_212, %add3A_227 : i32
        %dma_start3A_229 = tpu.memref_slice %arg2[%add3A_228] : memref<204800xi32, #tpu.memory_space<hbm>> -> memref<128xi32, #tpu.memory_space<hbm>>
        %dma_start3A_230 = tpu.memref_slice %arg2[%add3A_228] : memref<204800xi32, #tpu.memory_space<hbm>> -> memref<128xi32, #tpu.memory_space<hbm>>
        tpu.enqueue_dma source(%dma_start3A_230 : memref<128xi32, #tpu.memory_space<hbm>>) target(%arg8 : memref<128xi32, #tpu.memory_space<vmem>>) target_semaphore(%arg16 : memref<!tpu.dma_semaphore, #tpu.memory_space<semaphore_mem>>)
      } else {
      }
    }
    %scan3A_22 = arith.constant 12 : i32
    %add3A_23 = arith.constant 6144 : i32
    %add3A_24 = arith.addi %mul3A_2, %add3A_23 : i32
    %dma_wait3A = arith.constant 0 : i32
    %dma_wait3A_25 = tpu.memref_slice %arg4[%add3A_24, %dma_wait3A] : memref<204800x128xf32, #tpu.memory_space<hbm>> -> memref<128x128xf32, #tpu.memory_space<hbm>>
    %dma_wait3A_26 = arith.constant 0 : i32
    %dma_wait3A_27 = tpu.memref_slice %arg4[%add3A_24, %dma_wait3A_26] : memref<204800x128xf32, #tpu.memory_space<hbm>> -> memref<128x128xf32, #tpu.memory_space<hbm>>
    tpu.wait_dma2 semaphore(%arg21 : memref<!tpu.dma_semaphore, #tpu.memory_space<semaphore_mem>>) src(%arg9 : memref<128x128xf32, #tpu.memory_space<vmem>>) dst(%dma_wait3A_27 : memref<128x128xf32, #tpu.memory_space<hbm>>)
    %dma_wait3A_28 = tpu.memref_slice %arg2[%add3A_24] : memref<204800xi32, #tpu.memory_space<hbm>> -> memref<128xi32, #tpu.memory_space<hbm>>
    %dma_wait3A_29 = tpu.memref_slice %arg2[%add3A_24] : memref<204800xi32, #tpu.memory_space<hbm>> -> memref<128xi32, #tpu.memory_space<hbm>>
    tpu.wait_dma2 semaphore(%arg13 : memref<!tpu.dma_semaphore, #tpu.memory_space<semaphore_mem>>) src(%dma_wait3A_29 : memref<128xi32, #tpu.memory_space<hbm>>) dst(%arg5 : memref<128xi32, #tpu.memory_space<vmem>>)
    %dma_start3A_30 = arith.constant 0 : i32
    %dma_start3A_31 = arith.constant 0 : i32
    %dma_start3A_32 = tpu.memref_slice %arg3[%dma_start3A_30, %dma_start3A_31] : memref<100000x128xf32, #tpu.memory_space<hbm>> -> memref<100000x128xf32, #tpu.memory_space<hbm>>
    tpu.enqueue_indirect_dma source(%dma_start3A_32 : memref<100000x128xf32, #tpu.memory_space<hbm>>) target(%arg9 : memref<128x128xf32, #tpu.memory_space<vmem>>) offsets(%arg5 : memref<128xi32, #tpu.memory_space<vmem>>) semaphore(%arg17 : memref<!tpu.dma_semaphore, #tpu.memory_space<semaphore_mem>>)
    %add3A_33 = arith.constant 6272 : i32
    %add3A_34 = arith.addi %mul3A_2, %add3A_33 : i32
    %dma_wait3A_35 = arith.constant 0 : i32
    %dma_wait3A_36 = tpu.memref_slice %arg4[%add3A_34, %dma_wait3A_35] : memref<204800x128xf32, #tpu.memory_space<hbm>> -> memref<128x128xf32, #tpu.memory_space<hbm>>
    %dma_wait3A_37 = arith.constant 0 : i32
    %dma_wait3A_38 = tpu.memref_slice %arg4[%add3A_34, %dma_wait3A_37] : memref<204800x128xf32, #tpu.memory_space<hbm>> -> memref<128x128xf32, #tpu.memory_space<hbm>>
    tpu.wait_dma2 semaphore(%arg22 : memref<!tpu.dma_semaphore, #tpu.memory_space<semaphore_mem>>) src(%arg10 : memref<128x128xf32, #tpu.memory_space<vmem>>) dst(%dma_wait3A_38 : memref<128x128xf32, #tpu.memory_space<hbm>>)
    %dma_wait3A_39 = tpu.memref_slice %arg2[%add3A_34] : memref<204800xi32, #tpu.memory_space<hbm>> -> memref<128xi32, #tpu.memory_space<hbm>>
    %dma_wait3A_40 = tpu.memref_slice %arg2[%add3A_34] : memref<204800xi32, #tpu.memory_space<hbm>> -> memref<128xi32, #tpu.memory_space<hbm>>
    tpu.wait_dma2 semaphore(%arg14 : memref<!tpu.dma_semaphore, #tpu.memory_space<semaphore_mem>>) src(%dma_wait3A_40 : memref<128xi32, #tpu.memory_space<hbm>>) dst(%arg6 : memref<128xi32, #tpu.memory_space<vmem>>)
    %dma_start3A_41 = arith.constant 0 : i32
    %dma_start3A_42 = arith.constant 0 : i32
    %dma_start3A_43 = tpu.memref_slice %arg3[%dma_start3A_41, %dma_start3A_42] : memref<100000x128xf32, #tpu.memory_space<hbm>> -> memref<100000x128xf32, #tpu.memory_space<hbm>>
    tpu.enqueue_indirect_dma source(%dma_start3A_43 : memref<100000x128xf32, #tpu.memory_space<hbm>>) target(%arg10 : memref<128x128xf32, #tpu.memory_space<vmem>>) offsets(%arg6 : memref<128xi32, #tpu.memory_space<vmem>>) semaphore(%arg18 : memref<!tpu.dma_semaphore, #tpu.memory_space<semaphore_mem>>)
    %add3A_44 = arith.constant 6144 : i32
    %add3A_45 = arith.addi %mul3A_2, %add3A_44 : i32
    %dma_wait3A_46 = arith.constant 0 : i32
    %dma_wait3A_47 = arith.constant 0 : i32
    %dma_wait3A_48 = tpu.memref_slice %arg3[%dma_wait3A_46, %dma_wait3A_47] : memref<100000x128xf32, #tpu.memory_space<hbm>> -> memref<100000x128xf32, #tpu.memory_space<hbm>>
    tpu.wait_indirect_dma semaphore(%arg17 : memref<!tpu.dma_semaphore, #tpu.memory_space<semaphore_mem>>) src(%dma_wait3A_48 : memref<100000x128xf32, #tpu.memory_space<hbm>>) dst(%arg9 : memref<128x128xf32, #tpu.memory_space<vmem>>)
    %dma_start3A_49 = arith.constant 0 : i32
    %dma_start3A_50 = tpu.memref_slice %arg4[%add3A_45, %dma_start3A_49] : memref<204800x128xf32, #tpu.memory_space<hbm>> -> memref<128x128xf32, #tpu.memory_space<hbm>>
    %dma_start3A_51 = arith.constant 0 : i32
    %dma_start3A_52 = tpu.memref_slice %arg4[%add3A_45, %dma_start3A_51] : memref<204800x128xf32, #tpu.memory_space<hbm>> -> memref<128x128xf32, #tpu.memory_space<hbm>>
    tpu.enqueue_dma source(%arg9 : memref<128x128xf32, #tpu.memory_space<vmem>>) target(%dma_start3A_52 : memref<128x128xf32, #tpu.memory_space<hbm>>) target_semaphore(%arg21 : memref<!tpu.dma_semaphore, #tpu.memory_space<semaphore_mem>>)
    %add3A_53 = arith.constant 6272 : i32
    %add3A_54 = arith.addi %mul3A_2, %add3A_53 : i32
    %dma_wait3A_55 = arith.constant 0 : i32
    %dma_wait3A_56 = arith.constant 0 : i32
    %dma_wait3A_57 = tpu.memref_slice %arg3[%dma_wait3A_55, %dma_wait3A_56] : memref<100000x128xf32, #tpu.memory_space<hbm>> -> memref<100000x128xf32, #tpu.memory_space<hbm>>
    tpu.wait_indirect_dma semaphore(%arg18 : memref<!tpu.dma_semaphore, #tpu.memory_space<semaphore_mem>>) src(%dma_wait3A_57 : memref<100000x128xf32, #tpu.memory_space<hbm>>) dst(%arg10 : memref<128x128xf32, #tpu.memory_space<vmem>>)
    %dma_start3A_58 = arith.constant 0 : i32
    %dma_start3A_59 = tpu.memref_slice %arg4[%add3A_54, %dma_start3A_58] : memref<204800x128xf32, #tpu.memory_space<hbm>> -> memref<128x128xf32, #tpu.memory_space<hbm>>
    %dma_start3A_60 = arith.constant 0 : i32
    %dma_start3A_61 = tpu.memref_slice %arg4[%add3A_54, %dma_start3A_60] : memref<204800x128xf32, #tpu.memory_space<hbm>> -> memref<128x128xf32, #tpu.memory_space<hbm>>
    tpu.enqueue_dma source(%arg10 : memref<128x128xf32, #tpu.memory_space<vmem>>) target(%dma_start3A_61 : memref<128x128xf32, #tpu.memory_space<hbm>>) target_semaphore(%arg22 : memref<!tpu.dma_semaphore, #tpu.memory_space<semaphore_mem>>)
    %dma_wait3A_62 = arith.constant 0 : i32
    %dma_wait3A_63 = tpu.memref_slice %arg4[%mul3A_2, %dma_wait3A_62] : memref<204800x128xf32, #tpu.memory_space<hbm>> -> memref<128x128xf32, #tpu.memory_space<hbm>>
    %dma_wait3A_64 = arith.constant 0 : i32
    %dma_wait3A_65 = tpu.memref_slice %arg4[%mul3A_2, %dma_wait3A_64] : memref<204800x128xf32, #tpu.memory_space<hbm>> -> memref<128x128xf32, #tpu.memory_space<hbm>>
    tpu.wait_dma2 semaphore(%arg21 : memref<!tpu.dma_semaphore, #tpu.memory_space<semaphore_mem>>) src(%arg9 : memref<128x128xf32, #tpu.memory_space<vmem>>) dst(%dma_wait3A_65 : memref<128x128xf32, #tpu.memory_space<hbm>>)
    %dma_wait3A_66 = arith.constant 0 : i32
    %dma_wait3A_67 = tpu.memref_slice %arg4[%mul3A_2, %dma_wait3A_66] : memref<204800x128xf32, #tpu.memory_space<hbm>> -> memref<128x128xf32, #tpu.memory_space<hbm>>
    %dma_wait3A_68 = arith.constant 0 : i32
    %dma_wait3A_69 = tpu.memref_slice %arg4[%mul3A_2, %dma_wait3A_68] : memref<204800x128xf32, #tpu.memory_space<hbm>> -> memref<128x128xf32, #tpu.memory_space<hbm>>
    tpu.wait_dma2 semaphore(%arg22 : memref<!tpu.dma_semaphore, #tpu.memory_space<semaphore_mem>>) src(%arg10 : memref<128x128xf32, #tpu.memory_space<vmem>>) dst(%dma_wait3A_69 : memref<128x128xf32, #tpu.memory_space<hbm>>)
    %dma_wait3A_70 = arith.constant 0 : i32
    %dma_wait3A_71 = tpu.memref_slice %arg4[%mul3A_2, %dma_wait3A_70] : memref<204800x128xf32, #tpu.memory_space<hbm>> -> memref<128x128xf32, #tpu.memory_space<hbm>>
    %dma_wait3A_72 = arith.constant 0 : i32
    %dma_wait3A_73 = tpu.memref_slice %arg4[%mul3A_2, %dma_wait3A_72] : memref<204800x128xf32, #tpu.memory_space<hbm>> -> memref<128x128xf32, #tpu.memory_space<hbm>>
    tpu.wait_dma2 semaphore(%arg23 : memref<!tpu.dma_semaphore, #tpu.memory_space<semaphore_mem>>) src(%arg11 : memref<128x128xf32, #tpu.memory_space<vmem>>) dst(%dma_wait3A_73 : memref<128x128xf32, #tpu.memory_space<hbm>>)
    %dma_wait3A_74 = arith.constant 0 : i32
    %dma_wait3A_75 = tpu.memref_slice %arg4[%mul3A_2, %dma_wait3A_74] : memref<204800x128xf32, #tpu.memory_space<hbm>> -> memref<128x128xf32, #tpu.memory_space<hbm>>
    %dma_wait3A_76 = arith.constant 0 : i32
    %dma_wait3A_77 = tpu.memref_slice %arg4[%mul3A_2, %dma_wait3A_76] : memref<204800x128xf32, #tpu.memory_space<hbm>> -> memref<128x128xf32, #tpu.memory_space<hbm>>
    tpu.wait_dma2 semaphore(%arg24 : memref<!tpu.dma_semaphore, #tpu.memory_space<semaphore_mem>>) src(%arg12 : memref<128x128xf32, #tpu.memory_space<vmem>>) dst(%dma_wait3A_77 : memref<128x128xf32, #tpu.memory_space<hbm>>)
    return
  }
}

</mosaic_0001>

<sc_bundles>
// kernel: kernel.3.cloned.1.call-start
scs
__scs_entry_jumppad:
0x0: {  	(pc) =	sbr.rel $0x88, $3  }
0x1: {  	(tag) =	ssettag $0x0;
	lr =	simm.s32 $0x1  }
0x2: {  	[smem:$0x3F9F] =	sst lr;
	_ =	strace $0xD0000000  }
0x3: {  	_ = 	snop  }
0x4: {  	_ = 	snop  }
0x5: {  	_ = 	snop  }
0x6: {  	_ = 	snop  }
0x7: {  	_ = 	snop  }
__scs_overlays_trampoline_lowered:
0x8: {  	[smem:$0x3FAE] =	sst s0  }
0x9: {  	[smem:$0x3FAF] =	sst s1  }
0xa: {  	[smem:$0x3FB0] =	sst s2  }
0xb: {  	[smem:$0x3FB1] =	sst s3  }
0xc: {  	[smem:$0x3FB2] =	sst s4  }
0xd: {  	[smem:$0x3FB3] =	sst s5  }
0xe: {  	[smem:$0x3FB4] =	sst s6  }
0xf: {  	[smem:$0x3FB5] =	sst s7  }
0x10: {  	[smem:$0x3FB6] =	sst s8  }
0x11: {  	[smem:$0x3FB7] =	sst s9;
	s0 =	simm.s32 @!p0 $0x0  }
0x12: {  	s1 =	sld [smem:$0x3F9D];
	s0 =	simm.s32 @p0 $0x1  }
0x13: {  	[smem:$0x3FB8] =	sst s0;
	s0 =	simm.s32 @!p1 $0x0  }
0x14: {  	s2 =	sld [smem:$0x3F9C];
	s0 =	simm.s32 @p1 $0x1  }
0x15: {  	[smem:$0x3FB9] =	sst s0;
	s0 =	simm.s32 @!p2 $0x0  }
0x16: {  	s3 =	sld [smem:$0x3FDB];
	s0 =	simm.s32 @p2 $0x1  }
0x17: {  	s4 =	simm.s32 $0x1BF5;
	[smem:$0x3FBB] =	sst s0  }
0x18: {  	s0 =	sld [smem:$0x3F9E];
	_ =	swait.ge [sflag:s4], $0x0  }
0x19: {  	s7 =	sld [smem:$0x3F9F]  }
0x1a: {  	s8 =	sadd.s32 $0xFFFFE003, lr  }
0x1b: {  	s9 =	sadd.s32 $0xFFFFFEF7, lr;
	s5 =	simm.s32 $0xFFFFFFFF;
	p2 =	slt.u32 s8, $0xFFFFF086  }
0x1c: {  	p1 =	slt.u32 s9, $0xF7A;
	s5 =	simm.s32 @!p2 $0x0  }
0x1d: {  	s5 =	simm.s32 @p1 $0x1;
	p0 =	seq.s32 s7, s2  }
0x1e: {  	s7 =	smul.u32 @!p0 $0xF7A, s2;
	p2 =	seq.s32 @!p0 s5, $0x0  }
0x1f: {  	s9 =	smul.u32 $0xF7A, s1;
	s8 =	simm.s32 @!p0 $0x1BF5;
	p2 =	por !p2, p0  }
0x20: {  	[sflag:s8] =	ssyncset.s32 @!p0 $0xFFFFF086;
	s6 =	sadd.s32 @!p0 s3, s7;
	s7 =	simm.s32 @!p0 $0x108  }
0x21: {  	s3 =	sadd.s32 s3, s9;
	s6 =	sadd.s32 @!p0 $0x88, s6;
	s7 =	simm.s32 @p2 $0x1082  }
0x22: {  	[simem:s7], [sflag:s8] =	dma.local @!p0 [hbm:s6], $0xF7A  }
0x23: {  	s9 =	sor.u32 $0xD0000000, s2;
	s6 =	simm.s32 $0x108;
	_ =	swait.ge @!p0 [sflag:s8], $0x0  }
0x24: {  	s3 =	sadd.s32 $0x88, s3;
	s6 =	simm.s32 @!p1 $0x1082;
	[sflag:s4] =	ssyncset.s32 $0xFFFFF086  }
0x25: {  	[simem:s6], [sflag:s4] =	dma.local [hbm:s3], $0xF7A  }
0x26: {  	[smem:$0x3F9F] =	sst s1;
	(tag) =	ssettag s2;
	_ =	strace s9  }
0x27: {  	s1 =	sld [smem:$0x3FAF]  }
0x28: {  	s2 =	sld [smem:$0x3FB0]  }
0x29: {  	s4 =	sld [smem:$0x3FB2]  }
0x2a: {  	p0 =	seq.s32 s5, $0x0;
	s5 =	sld [smem:$0x3FB3]  }
0x2b: {  	s6 =	sld [smem:$0x3FB4]  }
0x2c: {  	s7 =	sld [smem:$0x3FB5]  }
0x2d: {  	s3 =	simm.s32 $0x108;
	s8 =	sld [smem:$0x3FB6]  }
0x2e: {  	s3 =	simm.s32 @!p0 $0x1082;
	s9 =	sld [smem:$0x3FB7]  }
0x2f: {  	lr =	sadd.s32 s0, s3;
	s0 =	sld [smem:$0x3FAE]  }
0x30: {  	s3 =	sld [smem:$0x3FB1]  }
0x31: {  	[smem:$0x3FBA] =	sst s10  }
0x32: {  	s10 =	sld [smem:$0x3FB8];
	_ =	sdelay $0x3  }
0x33: {  	p0 =	seq.s32 s10, $0x1;
	s10 =	sld [smem:$0x3FBA];
	_ =	sdelay $0x3  }
0x34: {  	[smem:$0x3FBA] =	sst s10  }
0x35: {  	s10 =	sld [smem:$0x3FB9];
	_ =	sdelay $0x3  }
0x36: {  	p1 =	seq.s32 s10, $0x1;
	s10 =	sld [smem:$0x3FBA];
	_ =	sdelay $0x3  }
0x37: {  	[smem:$0x3FBA] =	sst s10  }
0x38: {  	s10 =	sld [smem:$0x3FBB]  }
0x39: {  	_ = 	snop;
	(pc) =	sbr.ind lr, $3  }
0x3a: {  	_ = 	snop  }
0x3b: {  	_ = 	snop  }
0x3c: {  	p2 =	seq.s32 s10, $0x1;
	s10 =	sld [smem:$0x3FBA]  }
0x3d: {  	_ =	shalt  }
0x3e: {  	_ =	shalt  }
0x3f: {  	_ =	shalt  }
0x40: {  	_ =	shalt  }
0x41: {  	_ =	shalt  }
0x42: {  	_ =	shalt  }
0x43: {  	_ =	shalt  }
0x44: {  	_ =	shalt  }
0x45: {  	_ =	shalt  }
0x46: {  	_ =	shalt  }
0x47: {  	_ =	shalt  }
0x48: {  	_ =	shalt  }
0x49: {  	_ =	shalt  }
0x4a: {  	_ =	shalt  }
0x4b: {  	_ =	shalt  }
0x4c: {  	_ =	shalt  }
0x4d: {  	_ =	shalt  }
0x4e: {  	_ =	shalt  }
0x4f: {  	_ =	shalt  }
0x50: {  	_ =	shalt  }
0x51: {  	_ =	shalt  }
0x52: {  	_ =	shalt  }
0x53: {  	_ =	shalt  }
0x54: {  	_ =	shalt  }
0x55: {  	_ =	shalt  }
0x56: {  	_ =	shalt  }
0x57: {  	_ =	shalt  }
0x58: {  	_ =	shalt  }
0x59: {  	_ =	shalt  }
0x5a: {  	_ =	shalt  }
0x5b: {  	_ =	shalt  }
0x5c: {  	_ =	shalt  }
0x5d: {  	_ =	shalt  }
0x5e: {  	_ =	shalt  }
0x5f: {  	_ =	shalt  }
0x60: {  	_ =	shalt  }
0x61: {  	_ =	shalt  }
0x62: {  	_ =	shalt  }
0x63: {  	_ =	shalt  }
0x64: {  	_ =	shalt  }
0x65: {  	_ =	shalt  }
0x66: {  	_ =	shalt  }
0x67: {  	_ =	shalt  }
0x68: {  	_ =	shalt  }
0x69: {  	_ =	shalt  }
0x6a: {  	_ =	shalt  }
0x6b: {  	_ =	shalt  }
0x6c: {  	_ =	shalt  }
0x6d: {  	_ =	shalt  }
0x6e: {  	_ =	shalt  }
0x6f: {  	_ =	shalt  }
0x70: {  	_ =	shalt  }
0x71: {  	_ =	shalt  }
0x72: {  	_ =	shalt  }
0x73: {  	_ =	shalt  }
0x74: {  	_ =	shalt  }
0x75: {  	_ =	shalt  }
0x76: {  	_ =	shalt  }
0x77: {  	_ =	shalt  }
0x78: {  	_ =	shalt  }
0x79: {  	_ =	shalt  }
0x7a: {  	_ =	shalt  }
0x7b: {  	_ =	shalt  }
0x7c: {  	_ =	shalt  }
0x7d: {  	_ =	shalt  }
0x7e: {  	_ =	shalt  }
0x7f: {  	_ =	shalt  }
0x80: {  	_ =	shalt  }
0x81: {  	_ =	shalt  }
0x82: {  	_ =	shalt  }
0x83: {  	_ =	shalt  }
0x84: {  	_ =	shalt  }
0x85: {  	_ =	shalt  }
0x86: {  	_ =	shalt  }
0x87: {  	_ =	shalt  }
.Lfunc_end0:
.L_simem_size_0:
called_computation_lowered:
.L_overlay_start_0:
0x88: {  	s2 =	sld [smem:$0x3FD9]  }
0x89: {  	s3 =	sld [smem:$0x3FFE];
	_ =	sdelay $0x1  }
0x8a: {  	s1 =	srdreg.scid  }
0x8b: {  	s0 =	sand.u32 $0x1, s1  }
0x8c: {  	s17 =	sshll.u32 s0, $0xA;
	s2 =	sadd.s32 s3, s2  }
0x8d: {  	s2 =	sadd.s32 s2, s17  }
0x8e: {  	[smem:$0x3FC6] =	sst s2  }
0x8f: {  	_ = 	snop  }
0x90: {  	s2 =	sld [smem:$0x3FC8]  }
0x91: {  	s18 =	sld [smem:$0x3FD0];
	(tm) =	ssettm $0x1  }
0x92: {  	s4 =	sld [smem:$0x3FFB];
	_ =	sdelay $0x3  }
0x93: {  	_ =	strace s4  }
0x94: {  	s4 =	sld [smem:$0x3FFC];
	_ =	sdelay $0x3  }
0x95: {  	_ =	strace s4  }
0x96: {  	s4 =	sld [smem:$0x3FFD];
	_ =	sdelay $0x3  }
0x97: {  	_ =	strace s4  }
0x98: {  	_ =	strace $0x8FFFFFFF  }
0x99: {  	s19 =	sld [smem:$0x3FDB];
	_ =	sdelay $0x1  }
0x9a: {  	s5 =	simm.s32 $_scs_section_size  }
0x9b: {  	s6 =	simm.s32 $_size__tile_overlayer_lowered;
	s7 =	simm.s32 $_tile_overlayer_lowered  }
0x9c: {  	s22 =	simm.s32 $0x1BFF;
	s21 =	sshll.u32 s7, $0x1;
	s4 =	sadd.s32 s5, s19  }
0x9d: {  	s8 =	simm.s32 $0x0;
	s20 =	sshll.u32 s6, $0x1;
	s6 =	sadd.s32 s21, s4  }
0x9e: {  	[timem:s8], [sflag:s22] =	dma.local [hbm:s6], s20  }
0x9f: {  	_ =	swait.ge [sflag:s22], s20  }
0xa0: {  	s5 =	ssub.s32 $0x0, s20;
	[sflag:s22] =	ssyncset.done $0x0  }
0xa1: {  	[sflag:s22] =	ssyncadd.s32 s5;
	_ =	sdelay $0x1  }
0xa2: {  	s23 =	simm.s32 $0x1B8B  }
0xa3: {  	_ =	swait.ge [sflag:s23], $0x1  }
0xa4: {  	[sflag:s23] =	ssyncset.done $0x0  }
0xa5: {  	s25 =	simm.s32 $0x1B8E;
	s24 =	sld [smem:$0x3FFE];
	[sflag:s23] =	ssyncadd.s32 $0xFFFFFFFF  }
0xa6: {  	s26 =	simm.s32 $execute0_lowered;
	[smem:$0x3FD2] =	sst s25  }
0xa7: {  	s6 =	sshll.u32 s26, $0x1;
	_ =	strace $0x80000046;
	[dreg:$0x1] =	wrdreg $0xFFFFFFFF  }
0xa8: {  	s28 =	simm.s32 $_size_execute0_lowered;
	s4 =	sadd.s32 s4, s6;
	[dreg:$0x0] =	wrdreg $0x0  }
0xa9: {  	s6 =	sshll.u32 s28, $0x1;
	[dreg:$0x2] =	wrdreg s4  }
0xaa: {  	[dreg:$0x3] =	wrdreg s6  }
0xab: {  	[dreg:$0x4] =	wrdreg $0xC0  }
0xac: {  	_ =	task [dreg:s8], $0x5FFFF  }
0xad: {  	[dreg:$0x1] =	wrdreg $0xFFFFFFFF  }
0xae: {  	[dreg:$0x0] =	wrdreg $0x60  }
0xaf: {  	[dreg:$0x2] =	wrdreg s24  }
0xb0: {  	[dreg:$0x3] =	wrdreg s2  }
0xb1: {  	[dreg:$0x4] =	wrdreg s18  }
0xb2: {  	[dreg:$0x5] =	wrdreg $0x9  }
0xb3: {  	_ =	task.clear_ibuf [dreg:s8], $0x6FFFF;
	_ =	strace $0x90000046  }
0xb4: {  	s29 =	simm.s32 $0x9;
	_ =	strace $0x80000048  }
0xb5: {  	_ =	swait.ge [sflag:s29], $0x1  }
0xb6: {  	[sflag:s29] =	ssyncadd.s32 $0xFFFFFFFF  }
0xb7: {  	_ =	strace $0x90000048  }
0xb8: {  	_ =	sfence  }
0xb9: {  	s30 =	sld [smem:$0x0];
	_ =	sdelay $0x2  }
0xba: {  	s31 =	sshll.u32 s1, $0xD;
	s1 =	sshrl.u32 s1, $0x2  }
0xbb: {  	s3 =	sand.u32 $0x4000, s31;
	s1 =	sadd.s32 s1, s30  }
0xbc: {  	s0 =	sor.u32 s3, s0;
	s1 =	sshll.u32 s1, $0x11  }
0xbd: {  	s0 =	sor.u32 s1, s0  }
0xbe: {  	s0 =	sadd.s32 $0x8F2B, s0  }
0xbf: {  	[sflag:s0] =	ssyncadd.remote.s32 $0x1  }
0xc0: {  	_ =	sfence.sel $0xFFFF  }
0xc1: {  	[dreg:$0x0] =	wrdreg $0xFFFFFFFF;
	(pc) =	sbr.abs _section_cstart, $3  }
0xc2: {  	[dreg:$0x1] =	wrdreg $0xFFFFFFFF  }
0xc3: {  	_ =	task.clear_ibuf [dreg:s8], $0x2FFFF;
	_ =	strace $0x9FFFFFFF  }
0xc4: {  	(tm) =	ssettm $0x7FFFFFFF  }
0xc5: {  	_ =	shalt  }
tec
execute0_lowered:
.L_overlay_start_1:
0x0: {  	(tag) =	ssettag $0x1  }
0x1: {  	s0 =	rddreg [dreg:$0x0]  }
0x2: {  	s2 =	rddreg [dreg:$0x1]  }
0x3: {  	s1 =	srdreg.scid;
	s9 =	stileid.u32  }
0x4: {  	s5 =	rddreg [dreg:$0x2];
	s3 =	simm.s32 $0x0;
	s28 =	simm.s32 $0xC200  }
0x5: {  	s29 =	simm.s32 $0x5;
	s30 =	simm.s32 $0x6;
	s18 =	smul.u32 $0x32000, s9  }
0x6: {  	s1 =	sand.u32 $0x1, s1;
	s4 =	sshll.u32 s9, $0x1;
	s9 =	smul.u32 $0x3200, s9  }
0x7: {  	s31 =	simm.s32 $0x7;
	[smem:$0x7FF] =	sst s3;
	s20 =	smul.u32 $0x19000, s1  }
0x8: {  	s6 =	sor.u32 s1, s4;
	s17 =	ssub.s32 $0x2, s1;
	s1 =	smul.u32 $0x1900, s1  }
0x9: {  	_ =	strace $0x80000047;
	s7 =	smul.u32 $0x1900, s6;
	s8 =	sshrl.u32 s17, $0x1  }
0xa: {  	s4 =	sadd.s32 $0x400, s0;
	s6 =	smul.u32 $0xC8000, s6;
	s0 =	ssub.s32 s17, s8  }
0xb: {  	s22 =	sadd.s32 s1, s9;
	s17 =	simm.s32 $0x80;
	s8 =	simm.s32 $0xC  }
0xc: {  	s9 =	simm.s32 $0x0;
	s7 =	sshrl.u32 s7, $0x3;
	s6 =	sshrl.u32 s6, $0x3  }
0xd: {  	s0 =	smax.u32 s0, $0x1;
	s1 =	sadd.s32 $0x380, s22;
	s23 =	sadd.s32 $0x300, s22  }
0xe: {  	s24 =	sadd.s32 $0x280, s22;
	s10 =	sadd.s32 s4, s7;
	s6 =	sadd.s32 s5, s6  }
0xf: {  	s5 =	sadd.s32 s18, s5;
	[dreg:$0xa] =	wrdreg s0;
	s1 =	sshrl.u32 s1, $0x3  }
0x10: {  	s0 =	sadd.s32 $0x200, s22;
	s18 =	simm.s32 $0x100;
	s22 =	simm.s32 $0x2  }
0x11: {  	s7 =	simm.s32 $0xB;
	s19 =	sadd.s32 $0x10, s10;
	[dreg:$0x4] =	wrdreg s10  }
0x12: {  	s11 =	sadd.s32 $0x20, s10;
	s10 =	sadd.s32 $0x30, s10;
	[dreg:$0xe] =	wrdreg s0  }
0x13: {  	s21 =	sadd.s32 $0x18000, s6;
	s6 =	sadd.s32 $0x18800, s6;
	[dreg:$0x5] =	wrdreg s19  }
0x14: {  	s12 =	sadd.s32 s20, s5;
	s5 =	sshrl.u32 s23, $0x3;
	[dreg:$0x6] =	wrdreg s11  }
0x15: {  	s1 =	sadd.s32 s1, s4;
	s20 =	simm.s32 $0x1;
	[dreg:$0x7] =	wrdreg s10  }
0x16: {  	s23 =	simm.s32 $0x4200;
	s0 =	simm.s32 $0x9;
	[dreg:$0x8] =	wrdreg s21  }
.Ltmp0:
0x17: {  	[dreg:$0x9] =	wrdreg s6;
	s6 =	sshrl.u32 s24, $0x3;
	(pc) =	sbr.rel .LBB2_1-.Ltmp0, $4  }
0x18: {  	[dreg:$0xb] =	wrdreg s1;
	s25 =	sadd.s32 s5, s4;
	s19 =	simm.s32 $0x180  }
0x19: {  	s21 =	simm.s32 $0x200;
	s24 =	simm.s32 $0x3;
	s1 =	simm.s32 $0x8  }
0x1a: {  	[dreg:$0xc] =	wrdreg s25;
	s26 =	sadd.s32 s6, s4;
	s25 =	simm.s32 $0x8200  }
0x1b: {  	s6 =	simm.s32 $0xA;
	[dreg:$0xd] =	wrdreg s26;
	s26 =	simm.s32 $0x4  }
.LBB2_4:
0x1c: {  	_ =	swait.ge [sflag:s1], $0x4000  }
0x1d: {  	[sflag:s1] =	ssyncset.done $0x0  }
0x1e: {  	[sflag:s1] =	ssyncadd.s32 $0xFFFFC000  }
0x1f: {  	[hbm4b:s11+s3] =	stream.linear.scatter [tilespmem:s28], [sflag:$0xC], $0x4000, $0x38;
	[tilespmem:$0x10200] =	vst v63  }
0x20: {  	_ =	swait.ge [sflag:s0], $0x4000  }
0x21: {  	[sflag:s0] =	ssyncset.done $0x0  }
0x22: {  	[sflag:s0] =	ssyncadd.s32 $0xFFFFC000  }
0x23: {  	_ =	swait.ge [sflag:s20], $0x80  }
0x24: {  	[sflag:s20] =	ssyncset.done $0x0  }
0x25: {  	[sflag:s20] =	ssyncadd.s32 $0xFFFFFF80  }
0x26: {  	[tilespmem:s21], [sflag:$0x5] =	stream.indirect.gather [hbm4b:s2+s17], $0x80, s3, s17, $0xb8;
	[tilespmem:$0x10200] =	vst v63  }
0x27: {  	_ =	swait.ge [sflag:s6], $0x4000  }
0x28: {  	[sflag:s6] =	ssyncset.done $0x0  }
0x29: {  	[sflag:s6] =	ssyncadd.s32 $0xFFFFC000  }
0x2a: {  	_ =	swait.ge [sflag:s22], $0x80  }
0x2b: {  	[sflag:s22] =	ssyncset.done $0x0  }
0x2c: {  	[sflag:s22] =	ssyncadd.s32 $0xFFFFFF80  }
0x2d: {  	[tilespmem:s23], [sflag:$0x6] =	stream.indirect.gather [hbm4b:s2+s17], $0x80, s17, s17, $0xb8;
	[tilespmem:$0x10200] =	vst v63  }
0x2e: {  	_ =	swait.ge [sflag:s29], $0x4000  }
0x2f: {  	[sflag:s29] =	ssyncset.done $0x0  }
0x30: {  	s5 =	rddreg [dreg:$0x8];
	[sflag:s29] =	ssyncadd.s32 $0xFFFFC000  }
0x31: {  	[hbm4b:s5+s3] =	stream.linear.scatter [tilespmem:s21], [sflag:$0x9], $0x4000, $0x38;
	[tilespmem:$0x10200] =	vst v63  }
0x32: {  	_ =	swait.ge [sflag:s30], $0x4000  }
0x33: {  	[sflag:s30] =	ssyncset.done $0x0  }
0x34: {  	s15 =	rddreg [dreg:$0x9];
	[sflag:s30] =	ssyncadd.s32 $0xFFFFC000  }
0x35: {  	[hbm4b:s15+s3] =	stream.linear.scatter [tilespmem:s23], [sflag:$0xA], $0x4000, $0x38;
	[tilespmem:$0x10200] =	vst v63  }
0x36: {  	_ =	swait.ge [sflag:s0], $0x4000  }
0x37: {  	[sflag:s0] =	ssyncset.done $0x0  }
0x38: {  	[sflag:s0] =	ssyncadd.s32 $0xFFFFC000  }
0x39: {  	_ =	swait.ge [sflag:s6], $0x4000  }
0x3a: {  	[sflag:s6] =	ssyncset.done $0x0  }
0x3b: {  	[sflag:s6] =	ssyncadd.s32 $0xFFFFC000  }
0x3c: {  	_ =	swait.ge [sflag:s7], $0x4000  }
0x3d: {  	[sflag:s7] =	ssyncset.done $0x0  }
0x3e: {  	[sflag:s7] =	ssyncadd.s32 $0xFFFFC000  }
0x3f: {  	_ =	swait.ge [sflag:s8], $0x4000  }
0x40: {  	s9 =	sadd.s32 $0x1, s9;
	s16 =	rddreg [dreg:$0xa]  }
0x41: {  	p0 =	sne.s32 s9, s16  }
.Ltmp1:
0x42: {  	_ = 	snop;
	(pc) =	sbr.rel @!p0 .LBB2_5-.Ltmp1, $3  }
0x43: {  	_ =	sdelay $0x1  }
0x44: {  	[sflag:s8] =	ssyncset.done $0x0  }
0x45: {  	[sflag:s8] =	ssyncadd.s32 $0xFFFFC000  }
.LBB2_1:
0x46: {  	s5 =	rddreg [dreg:$0x4]  }
0x47: {  	s14 =	rddreg [dreg:$0x5]  }
0x48: {  	s15 =	rddreg [dreg:$0x6]  }
0x49: {  	s16 =	rddreg [dreg:$0x7]  }
0x4a: {  	[tilespmem:s3], [sflag:$0x1] =	stream.linear.gather [hbm4b:s5+s3], $0x80, $0x38;
	[tilespmem:$0x10200] =	vst v63  }
0x4b: {  	s13 =	rddreg [dreg:$0xb]  }
0x4c: {  	[tilespmem:s17], [sflag:$0x2] =	stream.linear.gather [hbm4b:s14+s3], $0x80, $0x38;
	[tilespmem:$0x10200] =	vst v63  }
0x4d: {  	s14 =	rddreg [dreg:$0xc]  }
0x4e: {  	[tilespmem:s18], [sflag:$0x3] =	stream.linear.gather [hbm4b:s15+s3], $0x80, $0x38;
	[tilespmem:$0x10200] =	vst v63  }
0x4f: {  	s15 =	rddreg [dreg:$0xd]  }
0x50: {  	[tilespmem:s19], [sflag:$0x4] =	stream.linear.gather [hbm4b:s16+s3], $0x80, $0x38;
	[tilespmem:$0x10200] =	vst v63  }
0x51: {  	s5 =	simm.s32 $0x0;
	s16 =	rddreg [dreg:$0xe]  }
.LBB2_2:
0x52: {  	p0 =	seq.s32 s5, $0x0  }
0x53: {  	s11 =	simm.s32 @!p0 $0x9  }
0x54: {  	_ =	swait.ge @!p0 [sflag:s11], $0x4000  }
0x55: {  	[sflag:s11] =	ssyncset.done @!p0 $0x0  }
0x56: {  	[sflag:s11] =	ssyncadd.s32 @!p0 $0xFFFFC000  }
0x57: {  	_ =	swait.ge [sflag:s20], $0x80  }
0x58: {  	[sflag:s20] =	ssyncset.done $0x0  }
0x59: {  	s11 =	simm.s32 @!p0 $0xA;
	[sflag:s20] =	ssyncadd.s32 $0xFFFFFF80  }
0x5a: {  	[tilespmem:s21], [sflag:$0x5] =	stream.indirect.gather [hbm4b:s2+s17], $0x80, s3, s17, $0xb8;
	[tilespmem:$0x10200] =	vst v63  }
0x5b: {  	_ =	swait.ge @!p0 [sflag:s11], $0x4000  }
0x5c: {  	[sflag:s11] =	ssyncset.done @!p0 $0x0  }
0x5d: {  	[sflag:s11] =	ssyncadd.s32 @!p0 $0xFFFFC000  }
0x5e: {  	_ =	swait.ge [sflag:s22], $0x80  }
0x5f: {  	[sflag:s22] =	ssyncset.done $0x0  }
0x60: {  	s11 =	simm.s32 @!p0 $0xB;
	[sflag:s22] =	ssyncadd.s32 $0xFFFFFF80  }
0x61: {  	[tilespmem:s23], [sflag:$0x6] =	stream.indirect.gather [hbm4b:s2+s17], $0x80, s17, s17, $0xb8;
	[tilespmem:$0x10200] =	vst v63  }
0x62: {  	_ =	swait.ge @!p0 [sflag:s11], $0x4000  }
0x63: {  	[sflag:s11] =	ssyncset.done @!p0 $0x0  }
0x64: {  	[sflag:s11] =	ssyncadd.s32 @!p0 $0xFFFFC000  }
0x65: {  	_ =	swait.ge [sflag:s24], $0x80  }
0x66: {  	[sflag:s24] =	ssyncset.done $0x0  }
0x67: {  	s11 =	simm.s32 @!p0 $0xC;
	[sflag:s24] =	ssyncadd.s32 $0xFFFFFF80  }
0x68: {  	[tilespmem:s25], [sflag:$0x7] =	stream.indirect.gather [hbm4b:s2+s17], $0x80, s18, s17, $0xb8;
	[tilespmem:$0x10200] =	vst v63  }
0x69: {  	_ =	swait.ge @!p0 [sflag:s11], $0x4000  }
0x6a: {  	[sflag:s11] =	ssyncset.done @!p0 $0x0  }
0x6b: {  	[sflag:s11] =	ssyncadd.s32 @!p0 $0xFFFFC000  }
0x6c: {  	_ =	swait.ge [sflag:s26], $0x80  }
0x6d: {  	[sflag:s26] =	ssyncset.done $0x0  }
0x6e: {  	[sflag:s26] =	ssyncadd.s32 $0xFFFFFF80  }
0x6f: {  	[tilespmem:s28], [sflag:$0x8] =	stream.indirect.gather [hbm4b:s2+s17], $0x80, s19, s17, $0xb8;
	[tilespmem:$0x10200] =	vst v63  }
0x70: {  	_ =	swait.ge [sflag:s29], $0x4000  }
0x71: {  	[sflag:s29] =	ssyncset.done $0x0  }
0x72: {  	s10 =	sshrl.u32 s16, $0x3;
	s11 =	sadd.s32 s5, s12;
	[sflag:s29] =	ssyncadd.s32 $0xFFFFC000  }
0x73: {  	[hbm4b:s11+s3] =	stream.linear.scatter [tilespmem:s21], [sflag:$0x9], $0x4000, $0x38;
	[tilespmem:$0x10200] =	vst v63  }
0x74: {  	s10 =	sadd.s32 s4, s10  }
0x75: {  	[tilespmem:s3], [sflag:$0x1] =	stream.linear.gather [hbm4b:s10+s3], $0x80, $0x38;
	[tilespmem:$0x10200] =	vst v63  }
0x76: {  	_ =	swait.ge [sflag:s30], $0x4000  }
0x77: {  	[sflag:s30] =	ssyncset.done $0x0  }
0x78: {  	s10 =	sadd.s32 $0x800, s11;
	[sflag:s30] =	ssyncadd.s32 $0xFFFFC000  }
0x79: {  	[hbm4b:s10+s3] =	stream.linear.scatter [tilespmem:s23], [sflag:$0xA], $0x4000, $0x38;
	[tilespmem:$0x10200] =	vst v63  }
0x7a: {  	p0 =	seq.s32 s5, $0x16000  }
0x7b: {  	[tilespmem:s17], [sflag:$0x2] =	stream.linear.gather [hbm4b:s15+s3], $0x80, $0x38;
	[tilespmem:$0x10200] =	vst v63  }
.Ltmp2:
0x7c: {  	_ = 	snop;
	(pc) =	sbr.rel @p0 .LBB2_4-.Ltmp2, $4  }
0x7d: {  	_ =	swait.ge [sflag:s31], $0x4000  }
0x7e: {  	[sflag:s31] =	ssyncset.done $0x0  }
0x7f: {  	s10 =	sadd.s32 $0x1000, s11;
	s11 =	sadd.s32 $0x1800, s11;
	[sflag:s31] =	ssyncadd.s32 $0xFFFFC000  }
0x80: {  	[hbm4b:s10+s3] =	stream.linear.scatter [tilespmem:s25], [sflag:$0xB], $0x4000, $0x38;
	[tilespmem:$0x10200] =	vst v63  }
0x81: {  	[tilespmem:s18], [sflag:$0x3] =	stream.linear.gather [hbm4b:s14+s3], $0x80, $0x38;
	[tilespmem:$0x10200] =	vst v63  }
0x82: {  	_ =	swait.ge [sflag:s1], $0x4000  }
0x83: {  	[sflag:s1] =	ssyncset.done $0x0  }
.Ltmp3:
0x84: {  	[sflag:s1] =	ssyncadd.s32 $0xFFFFC000;
	(pc) =	sbr.rel .LBB2_2-.Ltmp3, $4  }
0x85: {  	[hbm4b:s11+s3] =	stream.linear.scatter [tilespmem:s28], [sflag:$0xC], $0x4000, $0x38;
	[tilespmem:$0x10200] =	vst v63  }
0x86: {  	s5 =	sadd.s32 $0x2000, s5;
	s14 =	sadd.s32 $0x40, s14  }
0x87: {  	[tilespmem:s19], [sflag:$0x4] =	stream.linear.gather [hbm4b:s13+s3], $0x80, $0x38;
	[tilespmem:$0x10200] =	vst v63  }
0x88: {  	s15 =	sadd.s32 $0x40, s15;
	s16 =	sadd.s32 $0x200, s16;
	s13 =	sadd.s32 $0x40, s13  }
.LBB2_5:
0x89: {  	_ =	sfence.sel $0x180000  }
0x8a: {  	[bflag:$0x0] =	sbarrier.arrive $0xFFFF  }
0x8b: {  	_ =	strace $0x90000047  }
0x8c: {  	s0 =	stileid.u32;
	[bflag:$0x2] =	sbarrier.arrive $0xFFFF  }
0x8d: {  	p0 =	sne.s32 s0, $0x0;
	s0 =	rddreg [dreg:$0x3]  }
0x8e: {  	s0 =	sadd.s32 @!p0 $0x100000, s0  }
0x8f: {  	[sflag:s0] =	ssyncadd.tile.s32 @!p0 $0x1;
	_ =	shalt  }
.Lfunc_end2:
_tile_overlayer_lowered:
.L_overlay_start_2:
0x90: {  	(tag) =	ssettag $0x2  }
0x91: {  	s0 =	rddreg [dreg:$0x0];
	s2 =	stileid.u32  }
0x92: {  	s1 =	rddreg [dreg:$0x1];
	p0 =	sne.s32 s2, $0x0  }
0x93: {  	s3 =	rddreg [dreg:$0x2];
	[bflag:$0x3] =	sbarrier.arrive $0xFFFF;
	s2 =	simm.s32 @!p0 $0x1C0D  }
0x94: {  	[timem:s3], [sflag:s2] =	dma.local @!p0 [hbm:s0], s1  }
0x95: {  	s0 =	simm.s32 @!p0 $0xD  }
0x96: {  	_ =	swait.ge @!p0 [sflag:s0], s1  }
0x97: {  	s1 =	ssub.s32 @!p0 $0x0, s1;
	[sflag:s0] =	ssyncset.done @!p0 $0x0  }
0x98: {  	[sflag:s0] =	ssyncadd.s32 @!p0 s1  }
0x99: {  	[bflag:$0x3] =	sbarrier.arrive $0xFFFF  }
0x9a: {  	_ =	shalt  }

</sc_bundles>
